<compile_context>
chip_gen: v7x
topology: tpu7x:2x2x1
jax: 0.10.2.dev20260603
libtpu: 0.0.44.dev20260713+nightly
codegen_flags: <defaults>
</compile_context>

<pallas_src>
import functools

import jax
import jax.numpy as jnp
from jax import lax
from jax.experimental import pallas as pl
from jax.experimental.pallas import tpu as pltpu
from jax.experimental.pallas import tpu_sc as plsc

BATCH = 16384
SEQ_LEN = 7
NUM_WORKERS = 32
COLS_W = BATCH // NUM_WORKERS
PER_W = SEQ_LEN * COLS_W


def _gather_kernel(idx_hbm, table_hbm, out_hbm, idx_v, res_v, sem_s, sem_g, sem_w):
    wid = lax.axis_index("s") * 2 + lax.axis_index("c")
    base = wid * COLS_W

    def refs(r):
        hbm_idx = (pl.ds(r, 1), pl.ds(base, COLS_W))
        vcol = pl.ds(r * COLS_W, COLS_W)
        return hbm_idx, vcol

    def stage_issue(r, c):
        hbm_idx, vcol = refs(r)
        pltpu.async_copy(idx_hbm.at[hbm_idx], idx_v.at[:, vcol], sem_s.at[r])
        return c

    def gather_issue(r, c):
        hbm_idx, vcol = refs(r)
        pltpu.make_async_copy(
            idx_hbm.at[hbm_idx], idx_v.at[:, vcol], sem_s.at[r]
        ).wait()
        pltpu.async_copy(
            table_hbm.at[idx_v.at[0, vcol]], res_v.at[0, vcol], sem_g.at[r]
        )
        return c

    def write_issue(r, c):
        hbm_idx, vcol = refs(r)
        pltpu.make_async_copy(
            table_hbm.at[idx_v.at[0, vcol]], res_v.at[0, vcol], sem_g.at[r]
        ).wait()
        pltpu.async_copy(res_v.at[:, vcol], out_hbm.at[hbm_idx], sem_w)
        return c

    def write_drain(r, c):
        hbm_idx, vcol = refs(r)
        pltpu.make_async_copy(res_v.at[:, vcol], out_hbm.at[hbm_idx], sem_w).wait()
        return c

    lax.fori_loop(0, SEQ_LEN, stage_issue, 0)
    lax.fori_loop(0, SEQ_LEN, gather_issue, 0)
    lax.fori_loop(0, SEQ_LEN, write_issue, 0)
    lax.fori_loop(0, SEQ_LEN, write_drain, 0)


@jax.jit
def _run(idx_t, table):
    mesh = plsc.VectorSubcoreMesh(core_axis_name="c", subcore_axis_name="s")
    fn = functools.partial(
        pl.kernel,
        out_type=jax.ShapeDtypeStruct((SEQ_LEN, BATCH), jnp.int32),
        mesh=mesh,
        scratch_types=[
            pltpu.VMEM((1, PER_W), jnp.int32),
            pltpu.VMEM((1, PER_W), jnp.int32),
            pltpu.SemaphoreType.DMA((SEQ_LEN,)),
            pltpu.SemaphoreType.DMA((SEQ_LEN,)),
            pltpu.SemaphoreType.DMA,
        ],
    )(_gather_kernel)
    return fn(idx_t, table)


def kernel(faked_id, lookup_table):
    out_t = _run(faked_id.T, lookup_table)
    return out_t.T

# --- scband reference (transcript-rebuilt; emitter-appended) ---
"""Pipeline reference for scband-test-preprocessor-11879879544080 (READ-ONLY COPY).

The authoritative reference and input builder live on the scoring server;
editing this copy changes nothing except your own understanding.
"""

import jax, jax.numpy as jnp
import numpy as np

VOCAB_SIZE = 1000000
BATCH = 16384
SEQ_LEN = 7


def setup_inputs(seed: int = 0) -> dict:
    key = jax.random.key(seed)
    k1 = jax.random.fold_in(key, 1)
    # In the original keras module, the input is a batch of '|'-joined token strings.
    # After split_vertical + tokenization, each example is a sequence of SEQ_LEN token ids
    # drawn from the vocabulary {'0', ..., str(VOCAB_SIZE-1)}. We materialize that
    # tokenized representation directly as integer token ids in [0, VOCAB_SIZE).
    faked_id = jax.random.randint(k1, (BATCH, SEQ_LEN), 0, VOCAB_SIZE, dtype=jnp.int32)
    # TextVectorization vocabulary table: token 'i' maps to index i + 2
    # (index 0 is reserved for padding, index 1 for OOV).
    lookup_table = (jnp.arange(VOCAB_SIZE, dtype=jnp.int32) + 2)
    return {"faked_id": faked_id, "lookup_table": lookup_table}


def reference(faked_id, lookup_table):
    # call(): for each feature f, ans[f] = self._lookup[f](batch[f])
    # TextVectorization(output_mode='int', output_sequence_length=7) == vocab lookup (gather)
    # producing an int tensor of shape [batch, 7].
    ans_faked_id = jnp.take(lookup_table, faked_id, axis=0)
    return ans_faked_id

if __name__ == "__main__":
    import jax
    _d = setup_inputs()
    print(jax.jit(kernel)(*tuple(_d.values())))

</pallas_src>

<mosaic_0001>
#map = affine_map<(d0, d1) -> (0, 0)>
#map1 = affine_map<(d0, d1) -> (0)>
module attributes {stable_mosaic.version = 14 : i64} {
  func.func @_gather_kernel(%arg0: i32, %arg1: i32, %arg2: memref<7x16384xi32, #tpu.memory_space<hbm>>, %arg3: memref<1000000xi32, #tpu.memory_space<hbm>>, %arg4: memref<7x16384xi32, #tpu.memory_space<hbm>>, %arg5: memref<1x3584xi32, #tpu.memory_space<vmem>>, %arg6: memref<1x3584xi32, #tpu.memory_space<vmem>>, %arg7: memref<7x!tpu.dma_semaphore, #tpu.memory_space<semaphore_mem>>, %arg8: memref<7x!tpu.dma_semaphore, #tpu.memory_space<semaphore_mem>>, %arg9: memref<!tpu.dma_semaphore, #tpu.memory_space<semaphore_mem>>) attributes {dimension_semantics = [#tpu.dimension_semantics<core_parallel>, #tpu.dimension_semantics<subcore_parallel>], iteration_bounds = array<i64: 2, 16>, scalar_prefetch = 0 : i64, scratch_operands = 5 : i64, tpu.core_type = #tpu.core_type<sc_vector_subcore>, window_params = [{transform_indices = #map}, {transform_indices = #map1}, {transform_indices = #map}]} {
    %mul3A = arith.constant 2 : i32
    %mul3A_0 = arith.muli %arg1, %mul3A : i32
    %add3A = arith.addi %mul3A_0, %arg0 : i32
    %mul3A_1 = arith.constant 512 : i32
    %mul3A_2 = arith.muli %add3A, %mul3A_1 : i32
    %scan3A = arith.constant 0 : i32
    %scan3A_3 = arith.constant 0 : i32
    %scan3A_4 = arith.constant 7 : i32
    %scan3A_5 = arith.addi %scan3A_3, %scan3A_4 : i32
    %scan3A_6 = arith.constant 1 : i32
    scf.for %scan3A_26 = %scan3A_3 to %scan3A_5 step %scan3A_6  : i32 {
      %mul3A_27 = arith.constant 512 : i32
      %mul3A_28 = arith.muli %scan3A_26, %mul3A_27 : i32
      %dma_start3A = arith.constant 0 : i32
      %dma_start3A_29 = tpu.memref_slice %arg5[%dma_start3A, %mul3A_28] : memref<1x3584xi32, #tpu.memory_space<vmem>> -> memref<1x512xi32, #tpu.memory_space<vmem>>
      %dma_start3A_30 = tpu.memref_slice %arg2[%scan3A_26, %mul3A_2] : memref<7x16384xi32, #tpu.memory_space<hbm>> -> memref<1x512xi32, #tpu.memory_space<hbm>>
      %dma_start3A_31 = tpu.memref_slice %arg7[%scan3A_26] : memref<7x!tpu.dma_semaphore, #tpu.memory_space<semaphore_mem>> -> memref<1x!tpu.dma_semaphore, #tpu.memory_space<semaphore_mem>>
      %dma_start3A_32 = tpu.memref_squeeze %dma_start3A_31 : memref<1x!tpu.dma_semaphore, #tpu.memory_space<semaphore_mem>> -> memref<!tpu.dma_semaphore, #tpu.memory_space<semaphore_mem>>
      %dma_start3A_33 = arith.constant 0 : i32
      %dma_start3A_34 = tpu.memref_slice %arg5[%dma_start3A_33, %mul3A_28] : memref<1x3584xi32, #tpu.memory_space<vmem>> -> memref<1x512xi32, #tpu.memory_space<vmem>>
      %dma_start3A_35 = tpu.memref_slice %arg2[%scan3A_26, %mul3A_2] : memref<7x16384xi32, #tpu.memory_space<hbm>> -> memref<1x512xi32, #tpu.memory_space<hbm>>
      tpu.enqueue_dma source(%dma_start3A_35 : memref<1x512xi32, #tpu.memory_space<hbm>>) target(%dma_start3A_34 : memref<1x512xi32, #tpu.memory_space<vmem>>) target_semaphore(%dma_start3A_32 : memref<!tpu.dma_semaphore, #tpu.memory_space<semaphore_mem>>)
    }
    %scan3A_7 = arith.constant 7 : i32
    %scan3A_8 = arith.constant 0 : i32
    %scan3A_9 = arith.constant 0 : i32
    %scan3A_10 = arith.constant 7 : i32
    %scan3A_11 = arith.addi %scan3A_9, %scan3A_10 : i32
    %scan3A_12 = arith.constant 1 : i32
    scf.for %scan3A_26 = %scan3A_9 to %scan3A_11 step %scan3A_12  : i32 {
      %mul3A_27 = arith.constant 512 : i32
      %mul3A_28 = arith.muli %scan3A_26, %mul3A_27 : i32
      %dma_wait3A = arith.constant 0 : i32
      %dma_wait3A_29 = tpu.memref_slice %arg5[%dma_wait3A, %mul3A_28] : memref<1x3584xi32, #tpu.memory_space<vmem>> -> memref<1x512xi32, #tpu.memory_space<vmem>>
      %dma_wait3A_30 = tpu.memref_slice %arg2[%scan3A_26, %mul3A_2] : memref<7x16384xi32, #tpu.memory_space<hbm>> -> memref<1x512xi32, #tpu.memory_space<hbm>>
      %dma_wait3A_31 = tpu.memref_slice %arg7[%scan3A_26] : memref<7x!tpu.dma_semaphore, #tpu.memory_space<semaphore_mem>> -> memref<1x!tpu.dma_semaphore, #tpu.memory_space<semaphore_mem>>
      %dma_wait3A_32 = tpu.memref_squeeze %dma_wait3A_31 : memref<1x!tpu.dma_semaphore, #tpu.memory_space<semaphore_mem>> -> memref<!tpu.dma_semaphore, #tpu.memory_space<semaphore_mem>>
      %dma_wait3A_33 = arith.constant 0 : i32
      %dma_wait3A_34 = tpu.memref_slice %arg5[%dma_wait3A_33, %mul3A_28] : memref<1x3584xi32, #tpu.memory_space<vmem>> -> memref<1x512xi32, #tpu.memory_space<vmem>>
      %dma_wait3A_35 = tpu.memref_slice %arg2[%scan3A_26, %mul3A_2] : memref<7x16384xi32, #tpu.memory_space<hbm>> -> memref<1x512xi32, #tpu.memory_space<hbm>>
      tpu.wait_dma2 semaphore(%dma_wait3A_32 : memref<!tpu.dma_semaphore, #tpu.memory_space<semaphore_mem>>) src(%dma_wait3A_35 : memref<1x512xi32, #tpu.memory_space<hbm>>) dst(%dma_wait3A_34 : memref<1x512xi32, #tpu.memory_space<vmem>>)
      %dma_start3A = arith.constant 0 : i32
      %dma_start3A_36 = arith.constant 0 : i32
      %dma_start3A_37 = tpu.memref_slice %arg6[%dma_start3A_36, %mul3A_28] : memref<1x3584xi32, #tpu.memory_space<vmem>> -> memref<1x512xi32, #tpu.memory_space<vmem>>
      %dma_start3A_38 = tpu.memref_squeeze %dma_start3A_37 : memref<1x512xi32, #tpu.memory_space<vmem>> -> memref<512xi32, #tpu.memory_space<vmem>>
      %dma_start3A_39 = tpu.memref_slice %arg5[%dma_start3A, %mul3A_28] : memref<1x3584xi32, #tpu.memory_space<vmem>> -> memref<1x512xi32, #tpu.memory_space<vmem>>
      %dma_start3A_40 = tpu.memref_squeeze %dma_start3A_39 : memref<1x512xi32, #tpu.memory_space<vmem>> -> memref<512xi32, #tpu.memory_space<vmem>>
      %dma_start3A_41 = arith.constant 0 : i32
      %dma_start3A_42 = tpu.memref_slice %arg3[%dma_start3A_41] : memref<1000000xi32, #tpu.memory_space<hbm>> -> memref<1000000xi32, #tpu.memory_space<hbm>>
      %dma_start3A_43 = tpu.memref_slice %arg8[%scan3A_26] : memref<7x!tpu.dma_semaphore, #tpu.memory_space<semaphore_mem>> -> memref<1x!tpu.dma_semaphore, #tpu.memory_space<semaphore_mem>>
      %dma_start3A_44 = tpu.memref_squeeze %dma_start3A_43 : memref<1x!tpu.dma_semaphore, #tpu.memory_space<semaphore_mem>> -> memref<!tpu.dma_semaphore, #tpu.memory_space<semaphore_mem>>
      tpu.enqueue_indirect_dma source(%dma_start3A_42 : memref<1000000xi32, #tpu.memory_space<hbm>>) target(%dma_start3A_38 : memref<512xi32, #tpu.memory_space<vmem>>) offsets(%dma_start3A_40 : memref<512xi32, #tpu.memory_space<vmem>>) semaphore(%dma_start3A_44 : memref<!tpu.dma_semaphore, #tpu.memory_space<semaphore_mem>>)
    }
    %scan3A_13 = arith.constant 7 : i32
    %scan3A_14 = arith.constant 0 : i32
    %scan3A_15 = arith.constant 0 : i32
    %scan3A_16 = arith.constant 7 : i32
    %scan3A_17 = arith.addi %scan3A_15, %scan3A_16 : i32
    %scan3A_18 = arith.constant 1 : i32
    scf.for %scan3A_26 = %scan3A_15 to %scan3A_17 step %scan3A_18  : i32 {
      %mul3A_27 = arith.constant 512 : i32
      %mul3A_28 = arith.muli %scan3A_26, %mul3A_27 : i32
      %dma_wait3A = arith.constant 0 : i32
      %dma_wait3A_29 = arith.constant 0 : i32
      %dma_wait3A_30 = tpu.memref_slice %arg6[%dma_wait3A_29, %mul3A_28] : memref<1x3584xi32, #tpu.memory_space<vmem>> -> memref<1x512xi32, #tpu.memory_space<vmem>>
      %dma_wait3A_31 = tpu.memref_squeeze %dma_wait3A_30 : memref<1x512xi32, #tpu.memory_space<vmem>> -> memref<512xi32, #tpu.memory_space<vmem>>
      %dma_wait3A_32 = tpu.memref_slice %arg5[%dma_wait3A, %mul3A_28] : memref<1x3584xi32, #tpu.memory_space<vmem>> -> memref<1x512xi32, #tpu.memory_space<vmem>>
      %dma_wait3A_33 = tpu.memref_squeeze %dma_wait3A_32 : memref<1x512xi32, #tpu.memory_space<vmem>> -> memref<512xi32, #tpu.memory_space<vmem>>
      %dma_wait3A_34 = arith.constant 0 : i32
      %dma_wait3A_35 = tpu.memref_slice %arg3[%dma_wait3A_34] : memref<1000000xi32, #tpu.memory_space<hbm>> -> memref<1000000xi32, #tpu.memory_space<hbm>>
      %dma_wait3A_36 = tpu.memref_slice %arg8[%scan3A_26] : memref<7x!tpu.dma_semaphore, #tpu.memory_space<semaphore_mem>> -> memref<1x!tpu.dma_semaphore, #tpu.memory_space<semaphore_mem>>
      %dma_wait3A_37 = tpu.memref_squeeze %dma_wait3A_36 : memref<1x!tpu.dma_semaphore, #tpu.memory_space<semaphore_mem>> -> memref<!tpu.dma_semaphore, #tpu.memory_space<semaphore_mem>>
      tpu.wait_indirect_dma semaphore(%dma_wait3A_37 : memref<!tpu.dma_semaphore, #tpu.memory_space<semaphore_mem>>) src(%dma_wait3A_35 : memref<1000000xi32, #tpu.memory_space<hbm>>) dst(%dma_wait3A_31 : memref<512xi32, #tpu.memory_space<vmem>>)
      %dma_start3A = arith.constant 0 : i32
      %dma_start3A_38 = tpu.memref_slice %arg6[%dma_start3A, %mul3A_28] : memref<1x3584xi32, #tpu.memory_space<vmem>> -> memref<1x512xi32, #tpu.memory_space<vmem>>
      %dma_start3A_39 = tpu.memref_slice %arg4[%scan3A_26, %mul3A_2] : memref<7x16384xi32, #tpu.memory_space<hbm>> -> memref<1x512xi32, #tpu.memory_space<hbm>>
      %dma_start3A_40 = tpu.memref_slice %arg4[%scan3A_26, %mul3A_2] : memref<7x16384xi32, #tpu.memory_space<hbm>> -> memref<1x512xi32, #tpu.memory_space<hbm>>
      %dma_start3A_41 = arith.constant 0 : i32
      %dma_start3A_42 = tpu.memref_slice %arg6[%dma_start3A_41, %mul3A_28] : memref<1x3584xi32, #tpu.memory_space<vmem>> -> memref<1x512xi32, #tpu.memory_space<vmem>>
      tpu.enqueue_dma source(%dma_start3A_42 : memref<1x512xi32, #tpu.memory_space<vmem>>) target(%dma_start3A_40 : memref<1x512xi32, #tpu.memory_space<hbm>>) target_semaphore(%arg9 : memref<!tpu.dma_semaphore, #tpu.memory_space<semaphore_mem>>)
    }
    %scan3A_19 = arith.constant 7 : i32
    %scan3A_20 = arith.constant 0 : i32
    %scan3A_21 = arith.constant 0 : i32
    %scan3A_22 = arith.constant 7 : i32
    %scan3A_23 = arith.addi %scan3A_21, %scan3A_22 : i32
    %scan3A_24 = arith.constant 1 : i32
    scf.for %scan3A_26 = %scan3A_21 to %scan3A_23 step %scan3A_24  : i32 {
      %mul3A_27 = arith.constant 512 : i32
      %mul3A_28 = arith.muli %scan3A_26, %mul3A_27 : i32
      %dma_wait3A = arith.constant 0 : i32
      %dma_wait3A_29 = tpu.memref_slice %arg6[%dma_wait3A, %mul3A_28] : memref<1x3584xi32, #tpu.memory_space<vmem>> -> memref<1x512xi32, #tpu.memory_space<vmem>>
      %dma_wait3A_30 = tpu.memref_slice %arg4[%scan3A_26, %mul3A_2] : memref<7x16384xi32, #tpu.memory_space<hbm>> -> memref<1x512xi32, #tpu.memory_space<hbm>>
      %dma_wait3A_31 = tpu.memref_slice %arg4[%scan3A_26, %mul3A_2] : memref<7x16384xi32, #tpu.memory_space<hbm>> -> memref<1x512xi32, #tpu.memory_space<hbm>>
      %dma_wait3A_32 = arith.constant 0 : i32
      %dma_wait3A_33 = tpu.memref_slice %arg6[%dma_wait3A_32, %mul3A_28] : memref<1x3584xi32, #tpu.memory_space<vmem>> -> memref<1x512xi32, #tpu.memory_space<vmem>>
      tpu.wait_dma2 semaphore(%arg9 : memref<!tpu.dma_semaphore, #tpu.memory_space<semaphore_mem>>) src(%dma_wait3A_33 : memref<1x512xi32, #tpu.memory_space<vmem>>) dst(%dma_wait3A_31 : memref<1x512xi32, #tpu.memory_space<hbm>>)
    }
    %scan3A_25 = arith.constant 7 : i32
    return
  }
}

</mosaic_0001>

<sc_bundles>
// kernel: _run.3.cloned.1.call-start
scs
__scs_entry_jumppad:
0x0: {  	(pc) =	sbr.rel $0x88, $3  }
0x1: {  	(tag) =	ssettag $0x0;
	lr =	simm.s32 $0x1  }
0x2: {  	[smem:$0x3F9F] =	sst lr;
	_ =	strace $0xD0000000  }
0x3: {  	_ = 	snop  }
0x4: {  	_ = 	snop  }
0x5: {  	_ = 	snop  }
0x6: {  	_ = 	snop  }
0x7: {  	_ = 	snop  }
__scs_overlays_trampoline_lowered:
0x8: {  	[smem:$0x3FAE] =	sst s0  }
0x9: {  	[smem:$0x3FAF] =	sst s1  }
0xa: {  	[smem:$0x3FB0] =	sst s2  }
0xb: {  	[smem:$0x3FB1] =	sst s3  }
0xc: {  	[smem:$0x3FB2] =	sst s4  }
0xd: {  	[smem:$0x3FB3] =	sst s5  }
0xe: {  	[smem:$0x3FB4] =	sst s6  }
0xf: {  	[smem:$0x3FB5] =	sst s7  }
0x10: {  	[smem:$0x3FB6] =	sst s8  }
0x11: {  	[smem:$0x3FB7] =	sst s9;
	s0 =	simm.s32 @!p0 $0x0  }
0x12: {  	s1 =	sld [smem:$0x3F9D];
	s0 =	simm.s32 @p0 $0x1  }
0x13: {  	[smem:$0x3FB8] =	sst s0;
	s0 =	simm.s32 @!p1 $0x0  }
0x14: {  	s2 =	sld [smem:$0x3F9C];
	s0 =	simm.s32 @p1 $0x1  }
0x15: {  	[smem:$0x3FB9] =	sst s0;
	s0 =	simm.s32 @!p2 $0x0  }
0x16: {  	s3 =	sld [smem:$0x3FDB];
	s0 =	simm.s32 @p2 $0x1  }
0x17: {  	s4 =	simm.s32 $0x1BF5;
	[smem:$0x3FBB] =	sst s0  }
0x18: {  	s0 =	sld [smem:$0x3F9E];
	_ =	swait.ge [sflag:s4], $0x0  }
0x19: {  	s7 =	sld [smem:$0x3F9F]  }
0x1a: {  	s8 =	sadd.s32 $0xFFFFE003, lr  }
0x1b: {  	s9 =	sadd.s32 $0xFFFFFEF7, lr;
	s5 =	simm.s32 $0xFFFFFFFF;
	p2 =	slt.u32 s8, $0xFFFFF086  }
0x1c: {  	p1 =	slt.u32 s9, $0xF7A;
	s5 =	simm.s32 @!p2 $0x0  }
0x1d: {  	s5 =	simm.s32 @p1 $0x1;
	p0 =	seq.s32 s7, s2  }
0x1e: {  	s7 =	smul.u32 @!p0 $0xF7A, s2;
	p2 =	seq.s32 @!p0 s5, $0x0  }
0x1f: {  	s9 =	smul.u32 $0xF7A, s1;
	s8 =	simm.s32 @!p0 $0x1BF5;
	p2 =	por !p2, p0  }
0x20: {  	[sflag:s8] =	ssyncset.s32 @!p0 $0xFFFFF086;
	s6 =	sadd.s32 @!p0 s3, s7;
	s7 =	simm.s32 @!p0 $0x108  }
0x21: {  	s3 =	sadd.s32 s3, s9;
	s6 =	sadd.s32 @!p0 $0x88, s6;
	s7 =	simm.s32 @p2 $0x1082  }
0x22: {  	[simem:s7], [sflag:s8] =	dma.local @!p0 [hbm:s6], $0xF7A  }
0x23: {  	s9 =	sor.u32 $0xD0000000, s2;
	s6 =	simm.s32 $0x108;
	_ =	swait.ge @!p0 [sflag:s8], $0x0  }
0x24: {  	s3 =	sadd.s32 $0x88, s3;
	s6 =	simm.s32 @!p1 $0x1082;
	[sflag:s4] =	ssyncset.s32 $0xFFFFF086  }
0x25: {  	[simem:s6], [sflag:s4] =	dma.local [hbm:s3], $0xF7A  }
0x26: {  	[smem:$0x3F9F] =	sst s1;
	(tag) =	ssettag s2;
	_ =	strace s9  }
0x27: {  	s1 =	sld [smem:$0x3FAF]  }
0x28: {  	s2 =	sld [smem:$0x3FB0]  }
0x29: {  	s4 =	sld [smem:$0x3FB2]  }
0x2a: {  	p0 =	seq.s32 s5, $0x0;
	s5 =	sld [smem:$0x3FB3]  }
0x2b: {  	s6 =	sld [smem:$0x3FB4]  }
0x2c: {  	s7 =	sld [smem:$0x3FB5]  }
0x2d: {  	s3 =	simm.s32 $0x108;
	s8 =	sld [smem:$0x3FB6]  }
0x2e: {  	s3 =	simm.s32 @!p0 $0x1082;
	s9 =	sld [smem:$0x3FB7]  }
0x2f: {  	lr =	sadd.s32 s0, s3;
	s0 =	sld [smem:$0x3FAE]  }
0x30: {  	s3 =	sld [smem:$0x3FB1]  }
0x31: {  	[smem:$0x3FBA] =	sst s10  }
0x32: {  	s10 =	sld [smem:$0x3FB8];
	_ =	sdelay $0x3  }
0x33: {  	p0 =	seq.s32 s10, $0x1;
	s10 =	sld [smem:$0x3FBA];
	_ =	sdelay $0x3  }
0x34: {  	[smem:$0x3FBA] =	sst s10  }
0x35: {  	s10 =	sld [smem:$0x3FB9];
	_ =	sdelay $0x3  }
0x36: {  	p1 =	seq.s32 s10, $0x1;
	s10 =	sld [smem:$0x3FBA];
	_ =	sdelay $0x3  }
0x37: {  	[smem:$0x3FBA] =	sst s10  }
0x38: {  	s10 =	sld [smem:$0x3FBB]  }
0x39: {  	_ = 	snop;
	(pc) =	sbr.ind lr, $3  }
0x3a: {  	_ = 	snop  }
0x3b: {  	_ = 	snop  }
0x3c: {  	p2 =	seq.s32 s10, $0x1;
	s10 =	sld [smem:$0x3FBA]  }
0x3d: {  	_ =	shalt  }
0x3e: {  	_ =	shalt  }
0x3f: {  	_ =	shalt  }
0x40: {  	_ =	shalt  }
0x41: {  	_ =	shalt  }
0x42: {  	_ =	shalt  }
0x43: {  	_ =	shalt  }
0x44: {  	_ =	shalt  }
0x45: {  	_ =	shalt  }
0x46: {  	_ =	shalt  }
0x47: {  	_ =	shalt  }
0x48: {  	_ =	shalt  }
0x49: {  	_ =	shalt  }
0x4a: {  	_ =	shalt  }
0x4b: {  	_ =	shalt  }
0x4c: {  	_ =	shalt  }
0x4d: {  	_ =	shalt  }
0x4e: {  	_ =	shalt  }
0x4f: {  	_ =	shalt  }
0x50: {  	_ =	shalt  }
0x51: {  	_ =	shalt  }
0x52: {  	_ =	shalt  }
0x53: {  	_ =	shalt  }
0x54: {  	_ =	shalt  }
0x55: {  	_ =	shalt  }
0x56: {  	_ =	shalt  }
0x57: {  	_ =	shalt  }
0x58: {  	_ =	shalt  }
0x59: {  	_ =	shalt  }
0x5a: {  	_ =	shalt  }
0x5b: {  	_ =	shalt  }
0x5c: {  	_ =	shalt  }
0x5d: {  	_ =	shalt  }
0x5e: {  	_ =	shalt  }
0x5f: {  	_ =	shalt  }
0x60: {  	_ =	shalt  }
0x61: {  	_ =	shalt  }
0x62: {  	_ =	shalt  }
0x63: {  	_ =	shalt  }
0x64: {  	_ =	shalt  }
0x65: {  	_ =	shalt  }
0x66: {  	_ =	shalt  }
0x67: {  	_ =	shalt  }
0x68: {  	_ =	shalt  }
0x69: {  	_ =	shalt  }
0x6a: {  	_ =	shalt  }
0x6b: {  	_ =	shalt  }
0x6c: {  	_ =	shalt  }
0x6d: {  	_ =	shalt  }
0x6e: {  	_ =	shalt  }
0x6f: {  	_ =	shalt  }
0x70: {  	_ =	shalt  }
0x71: {  	_ =	shalt  }
0x72: {  	_ =	shalt  }
0x73: {  	_ =	shalt  }
0x74: {  	_ =	shalt  }
0x75: {  	_ =	shalt  }
0x76: {  	_ =	shalt  }
0x77: {  	_ =	shalt  }
0x78: {  	_ =	shalt  }
0x79: {  	_ =	shalt  }
0x7a: {  	_ =	shalt  }
0x7b: {  	_ =	shalt  }
0x7c: {  	_ =	shalt  }
0x7d: {  	_ =	shalt  }
0x7e: {  	_ =	shalt  }
0x7f: {  	_ =	shalt  }
0x80: {  	_ =	shalt  }
0x81: {  	_ =	shalt  }
0x82: {  	_ =	shalt  }
0x83: {  	_ =	shalt  }
0x84: {  	_ =	shalt  }
0x85: {  	_ =	shalt  }
0x86: {  	_ =	shalt  }
0x87: {  	_ =	shalt  }
.Lfunc_end0:
.L_simem_size_0:
called_computation_lowered:
.L_overlay_start_0:
0x88: {  	s2 =	sld [smem:$0x3FD9]  }
0x89: {  	s3 =	sld [smem:$0x3FFE];
	_ =	sdelay $0x1  }
0x8a: {  	s1 =	srdreg.scid  }
0x8b: {  	s0 =	sand.u32 $0x1, s1  }
0x8c: {  	s18 =	sshll.u32 s0, $0xA;
	s2 =	sadd.s32 s3, s2  }
0x8d: {  	s2 =	sadd.s32 s2, s18  }
0x8e: {  	[smem:$0x3FC6] =	sst s2  }
0x8f: {  	_ = 	snop  }
0x90: {  	s2 =	sld [smem:$0x3FC9]  }
0x91: {  	s19 =	sld [smem:$0x3FC8]  }
0x92: {  	s4 =	sld [smem:$0x3FD0];
	(tm) =	ssettm $0x1  }
0x93: {  	s5 =	sld [smem:$0x3FFB];
	_ =	sdelay $0x3  }
0x94: {  	_ =	strace s5  }
0x95: {  	s5 =	sld [smem:$0x3FFC];
	_ =	sdelay $0x3  }
0x96: {  	_ =	strace s5  }
0x97: {  	s5 =	sld [smem:$0x3FFD];
	_ =	sdelay $0x3  }
0x98: {  	_ =	strace s5  }
0x99: {  	_ =	strace $0x8FFFFFFF  }
0x9a: {  	s20 =	sld [smem:$0x3FDB];
	_ =	sdelay $0x1  }
0x9b: {  	s6 =	simm.s32 $_scs_section_size  }
0x9c: {  	s7 =	simm.s32 $_size__tile_overlayer_lowered;
	s8 =	simm.s32 $_tile_overlayer_lowered  }
0x9d: {  	s23 =	simm.s32 $0x1BFF;
	s22 =	sshll.u32 s8, $0x1;
	s5 =	sadd.s32 s6, s20  }
0x9e: {  	s9 =	simm.s32 $0x0;
	s21 =	sshll.u32 s7, $0x1;
	s7 =	sadd.s32 s22, s5  }
0x9f: {  	[timem:s9], [sflag:s23] =	dma.local [hbm:s7], s21  }
0xa0: {  	_ =	swait.ge [sflag:s23], s21  }
0xa1: {  	s6 =	ssub.s32 $0x0, s21;
	[sflag:s23] =	ssyncset.done $0x0  }
0xa2: {  	[sflag:s23] =	ssyncadd.s32 s6;
	_ =	sdelay $0x1  }
0xa3: {  	s24 =	simm.s32 $0x1B8B  }
0xa4: {  	_ =	swait.ge [sflag:s24], $0x1  }
0xa5: {  	[sflag:s24] =	ssyncset.done $0x0  }
0xa6: {  	s25 =	simm.s32 $0x1B8E;
	[sflag:s24] =	ssyncadd.s32 $0xFFFFFFFF  }
0xa7: {  	s26 =	simm.s32 $execute0_lowered;
	[smem:$0x3FD2] =	sst s25  }
0xa8: {  	s6 =	sshll.u32 s26, $0x1;
	_ =	strace $0x80000046;
	[dreg:$0x1] =	wrdreg $0xFFFFFFFF  }
0xa9: {  	s28 =	simm.s32 $_size_execute0_lowered;
	s5 =	sadd.s32 s5, s6;
	[dreg:$0x0] =	wrdreg $0x0  }
0xaa: {  	s6 =	sshll.u32 s28, $0x1;
	[dreg:$0x2] =	wrdreg s5  }
0xab: {  	[dreg:$0x3] =	wrdreg s6  }
0xac: {  	[dreg:$0x4] =	wrdreg $0xC0  }
0xad: {  	_ =	task [dreg:s9], $0x5FFFF  }
0xae: {  	[dreg:$0x1] =	wrdreg $0xFFFFFFFF  }
0xaf: {  	[dreg:$0x0] =	wrdreg $0x60  }
0xb0: {  	[dreg:$0x2] =	wrdreg s2  }
0xb1: {  	[dreg:$0x3] =	wrdreg s19  }
0xb2: {  	[dreg:$0x4] =	wrdreg s4  }
0xb3: {  	[dreg:$0x5] =	wrdreg $0x9  }
0xb4: {  	_ =	task.clear_ibuf [dreg:s9], $0x6FFFF;
	_ =	strace $0x90000046  }
0xb5: {  	s29 =	simm.s32 $0x9;
	_ =	strace $0x80000048  }
0xb6: {  	_ =	swait.ge [sflag:s29], $0x1  }
0xb7: {  	[sflag:s29] =	ssyncadd.s32 $0xFFFFFFFF  }
0xb8: {  	_ =	strace $0x90000048  }
0xb9: {  	_ =	sfence  }
0xba: {  	s30 =	sld [smem:$0x0];
	_ =	sdelay $0x2  }
0xbb: {  	s31 =	sshll.u32 s1, $0xD;
	s1 =	sshrl.u32 s1, $0x2  }
0xbc: {  	s3 =	sand.u32 $0x4000, s31;
	s1 =	sadd.s32 s1, s30  }
0xbd: {  	s0 =	sor.u32 s3, s0;
	s1 =	sshll.u32 s1, $0x11  }
0xbe: {  	s0 =	sor.u32 s1, s0  }
0xbf: {  	s0 =	sadd.s32 $0x8F2B, s0  }
0xc0: {  	[sflag:s0] =	ssyncadd.remote.s32 $0x1  }
0xc1: {  	_ =	sfence.sel $0xFFFF  }
0xc2: {  	[dreg:$0x0] =	wrdreg $0xFFFFFFFF;
	(pc) =	sbr.abs _section_cstart, $3  }
0xc3: {  	[dreg:$0x1] =	wrdreg $0xFFFFFFFF  }
0xc4: {  	_ =	task.clear_ibuf [dreg:s9], $0x2FFFF;
	_ =	strace $0x9FFFFFFF  }
0xc5: {  	(tm) =	ssettm $0x7FFFFFFF  }
tec
execute0_lowered:
.L_overlay_start_1:
0x0: {  	(tag) =	ssettag $0x1  }
0x1: {  	s0 =	rddreg [dreg:$0x0]  }
0x2: {  	s1 =	srdreg.scid;
	s2 =	rddreg [dreg:$0x1]  }
0x3: {  	s10 =	stileid.u32;
	s3 =	rddreg [dreg:$0x2];
	s11 =	simm.s32 $0x0  }
0x4: {  	s7 =	simm.s32 $0x1;
	s13 =	simm.s32 $0x1400;
	s1 =	sand.u32 $0x1, s1  }
0x5: {  	s31 =	simm.s32 $0x5;
	s4 =	sshll.u32 s10, $0xA;
	s5 =	sshll.u32 s1, $0x9  }
0x6: {  	s29 =	simm.s32 $0x6;
	p0 =	por $0x0, $0x0;
	s4 =	sor.u32 s5, s4  }
0x7: {  	[smem:$0x7FF] =	sst s11;
	s23 =	sadd.s32 s0, s4;
	s4 =	sadd.s32 s3, s4  }
0x8: {  	_ =	strace $0x80000047;
	s0 =	sadd.s32 $0x10, s23;
	[dreg:$0x10] =	wrdreg s4  }
0x9: {  	s30 =	simm.s32 $0x7;
	s14 =	sadd.s32 $0x20, s23;
	[dreg:$0x4] =	wrdreg s0  }
0xa: {  	s28 =	simm.s32 $0x8;
	s15 =	sadd.s32 $0x30, s23;
	[dreg:$0x5] =	wrdreg s14  }
0xb: {  	s12 =	simm.s32 $0xE;
	s16 =	sadd.s32 $0x40, s23;
	[dreg:$0x6] =	wrdreg s15  }
0xc: {  	s1 =	ssub.s32 $0x2, s1;
	s17 =	sadd.s32 $0x50, s23;
	[dreg:$0x7] =	wrdreg s16  }
0xd: {  	s22 =	sshrl.u32 s1, $0x1;
	s18 =	sadd.s32 $0x60, s23;
	[dreg:$0x8] =	wrdreg s17  }
0xe: {  	s5 =	simm.s32 $0x2;
	s19 =	sadd.s32 $0x10, s4;
	[dreg:$0x9] =	wrdreg s18  }
0xf: {  	s1 =	ssub.s32 s1, s22;
	s20 =	sadd.s32 $0x20, s4;
	[dreg:$0xa] =	wrdreg s19  }
0x10: {  	s3 =	simm.s32 $0x80;
	s21 =	sadd.s32 $0x30, s4;
	[dreg:$0xb] =	wrdreg s20  }
0x11: {  	s22 =	simm.s32 $0xB;
	s24 =	sadd.s32 $0x40, s4;
	[dreg:$0xc] =	wrdreg s21  }
0x12: {  	s25 =	sadd.s32 $0x50, s4;
	s6 =	smax.u32 s1, $0x1;
	[dreg:$0xd] =	wrdreg s24  }
0x13: {  	s26 =	sadd.s32 $0x60, s4;
	s4 =	simm.s32 $0x400;
	[dreg:$0xe] =	wrdreg s25  }
0x14: {  	s1 =	simm.s32 $0x4;
	[dreg:$0xf] =	wrdreg s26;
	p1 =	sne.s32 s6, $0x1  }
.Ltmp0:
0x15: {  	s16 =	simm.s32 $0x200;
	s25 =	simm.s32 $0x800;
	(pc) =	sbr.rel @!p1 .LBB2_5-.Ltmp0, $4  }
0x16: {  	s21 =	simm.s32 $0xA00;
	s20 =	simm.s32 $0xC00;
	s19 =	simm.s32 $0xE00  }
0x17: {  	s17 =	simm.s32 $0x1000;
	s0 =	simm.s32 $0x3;
	s14 =	simm.s32 $0x1200  }
0x18: {  	s8 =	sadd.s32 $0xFFFFFFFF, s6;
	s26 =	simm.s32 $0x9;
	s24 =	simm.s32 $0xA  }
0x19: {  	s18 =	simm.s32 $0xC;
	s15 =	simm.s32 $0xD;
	s6 =	simm.s32 $0xF  }
0x1a: {  	[dreg:$0x11] =	wrdreg s8  }
0x1b: {  	s10 =	rddreg [dreg:$0x4]  }
0x1c: {  	[tilespmem:s11], [sflag:$0x1] =	stream.strided.gather [hbm4b:s23+s3], $0x200, s4, s3, $0x38;
	[tilespmem:$0x1C00] =	vst v63  }
0x1d: {  	s9 =	rddreg [dreg:$0x5]  }
0x1e: {  	[tilespmem:s16], [sflag:$0x2] =	stream.strided.gather [hbm4b:s10+s3], $0x200, s4, s3, $0x38;
	[tilespmem:$0x1C00] =	vst v63  }
0x1f: {  	s8 =	rddreg [dreg:$0x6]  }
0x20: {  	[tilespmem:s4], [sflag:$0x3] =	stream.strided.gather [hbm4b:s9+s3], $0x200, s4, s3, $0x38;
	[tilespmem:$0x1C00] =	vst v63  }
0x21: {  	s10 =	rddreg [dreg:$0x7];
	s9 =	simm.s32 $0x600  }
0x22: {  	[tilespmem:s9], [sflag:$0x4] =	stream.strided.gather [hbm4b:s8+s3], $0x200, s4, s3, $0x38;
	[tilespmem:$0x1C00] =	vst v63  }
0x23: {  	s8 =	rddreg [dreg:$0x8]  }
0x24: {  	[dreg:$0x12] =	wrdreg s8  }
0x25: {  	[tilespmem:s25], [sflag:$0x5] =	stream.strided.gather [hbm4b:s10+s3], $0x200, s4, s3, $0x38;
	[tilespmem:$0x1C00] =	vst v63  }
0x26: {  	s25 =	rddreg [dreg:$0x12]  }
0x27: {  	[tilespmem:s21], [sflag:$0x6] =	stream.strided.gather [hbm4b:s25+s3], $0x200, s4, s3, $0x38;
	[tilespmem:$0x1C00] =	vst v63  }
0x28: {  	s8 =	rddreg [dreg:$0x9]  }
0x29: {  	[tilespmem:s20], [sflag:$0x7] =	stream.strided.gather [hbm4b:s8+s3], $0x200, s4, s3, $0x38;
	[tilespmem:$0x1C00] =	vst v63  }
0x2a: {  	_ =	swait.ge [sflag:s7], $0x200  }
0x2b: {  	[sflag:s7] =	ssyncset.done $0x0  }
0x2c: {  	[sflag:s7] =	ssyncadd.s32 $0xFFFFFE00  }
0x2d: {  	[tilespmem:s19], [sflag:$0x8] =	stream.indirect.gather [hbm4b:s2+s16], $0x1, s11, s16, $0xb8;
	[tilespmem:$0x1C00] =	vst v63  }
0x2e: {  	_ =	swait.ge [sflag:s5], $0x200  }
0x2f: {  	[sflag:s5] =	ssyncset.done $0x0  }
0x30: {  	[sflag:s5] =	ssyncadd.s32 $0xFFFFFE00  }
0x31: {  	[tilespmem:s17], [sflag:$0x9] =	stream.indirect.gather [hbm4b:s2+s16], $0x1, s16, s16, $0xb8;
	[tilespmem:$0x1C00] =	vst v63  }
0x32: {  	_ =	swait.ge [sflag:s0], $0x200  }
0x33: {  	[sflag:s0] =	ssyncset.done $0x0  }
0x34: {  	[sflag:s0] =	ssyncadd.s32 $0xFFFFFE00  }
0x35: {  	[tilespmem:s14], [sflag:$0xA] =	stream.indirect.gather [hbm4b:s2+s16], $0x1, s4, s16, $0xb8;
	[tilespmem:$0x1C00] =	vst v63  }
0x36: {  	_ =	swait.ge [sflag:s1], $0x200  }
0x37: {  	[sflag:s1] =	ssyncset.done $0x0  }
0x38: {  	[sflag:s1] =	ssyncadd.s32 $0xFFFFFE00  }
0x39: {  	[tilespmem:s13], [sflag:$0xB] =	stream.indirect.gather [hbm4b:s2+s16], $0x1, s9, s16, $0xb8;
	[tilespmem:$0x1C00] =	vst v63  }
0x3a: {  	_ =	swait.ge [sflag:s31], $0x200  }
0x3b: {  	[sflag:s31] =	ssyncset.done $0x0  }
0x3c: {  	s14 =	simm.s32 $0x800;
	s13 =	simm.s32 $0x1600;
	[sflag:s31] =	ssyncadd.s32 $0xFFFFFE00  }
0x3d: {  	[tilespmem:s13], [sflag:$0xC] =	stream.indirect.gather [hbm4b:s2+s16], $0x1, s14, s16, $0xb8;
	[tilespmem:$0x1C00] =	vst v63  }
0x3e: {  	_ =	swait.ge [sflag:s29], $0x200  }
0x3f: {  	[sflag:s29] =	ssyncset.done $0x0  }
0x40: {  	s25 =	simm.s32 $0xA00;
	s9 =	simm.s32 $0x1800;
	[sflag:s29] =	ssyncadd.s32 $0xFFFFFE00  }
0x41: {  	[tilespmem:s9], [sflag:$0xD] =	stream.indirect.gather [hbm4b:s2+s16], $0x1, s25, s16, $0xb8;
	[tilespmem:$0x1C00] =	vst v63  }
0x42: {  	_ =	swait.ge [sflag:s30], $0x200  }
0x43: {  	[sflag:s30] =	ssyncset.done $0x0  }
0x44: {  	s10 =	simm.s32 $0x1A00;
	s8 =	simm.s32 $0xC00;
	[sflag:s30] =	ssyncadd.s32 $0xFFFFFE00  }
0x45: {  	[tilespmem:s10], [sflag:$0xE] =	stream.indirect.gather [hbm4b:s2+s16], $0x1, s8, s16, $0xb8;
	[tilespmem:$0x1C00] =	vst v63  }
0x46: {  	_ =	swait.ge [sflag:s28], $0x200  }
0x47: {  	[sflag:s28] =	ssyncset.done $0x0  }
0x48: {  	s21 =	simm.s32 $0xE00;
	s8 =	rddreg [dreg:$0x10];
	[sflag:s28] =	ssyncadd.s32 $0xFFFFFE00  }
0x49: {  	[hbm4b:s8+s3] =	stream.strided.scatter [tilespmem:s21], [sflag:$0xF], $0x200, s4, s3, $0x38;
	[tilespmem:$0x1C00] =	vst v63  }
0x4a: {  	_ =	swait.ge [sflag:s26], $0x200  }
0x4b: {  	[sflag:s26] =	ssyncset.done $0x0  }
0x4c: {  	s19 =	simm.s32 $0x1000;
	s8 =	rddreg [dreg:$0xa];
	[sflag:s26] =	ssyncadd.s32 $0xFFFFFE00  }
0x4d: {  	[hbm4b:s8+s3] =	stream.strided.scatter [tilespmem:s19], [sflag:$0xF], $0x200, s4, s3, $0x38;
	[tilespmem:$0x1C00] =	vst v63  }
0x4e: {  	_ =	swait.ge [sflag:s24], $0x200  }
0x4f: {  	[sflag:s24] =	ssyncset.done $0x0  }
0x50: {  	s17 =	simm.s32 $0x1200;
	s19 =	rddreg [dreg:$0xb];
	[sflag:s24] =	ssyncadd.s32 $0xFFFFFE00  }
0x51: {  	[hbm4b:s19+s3] =	stream.strided.scatter [tilespmem:s17], [sflag:$0xF], $0x200, s4, s3, $0x38;
	[tilespmem:$0x1C00] =	vst v63  }
0x52: {  	_ =	swait.ge [sflag:s22], $0x200  }
0x53: {  	[sflag:s22] =	ssyncset.done $0x0  }
0x54: {  	s20 =	simm.s32 $0x1400;
	s19 =	rddreg [dreg:$0xc];
	[sflag:s22] =	ssyncadd.s32 $0xFFFFFE00  }
0x55: {  	[hbm4b:s19+s3] =	stream.strided.scatter [tilespmem:s20], [sflag:$0xF], $0x200, s4, s3, $0x38;
	[tilespmem:$0x1C00] =	vst v63  }
0x56: {  	_ =	swait.ge [sflag:s18], $0x200  }
0x57: {  	[sflag:s18] =	ssyncset.done $0x0  }
0x58: {  	s20 =	rddreg [dreg:$0xd];
	[sflag:s18] =	ssyncadd.s32 $0xFFFFFE00  }
0x59: {  	[hbm4b:s20+s3] =	stream.strided.scatter [tilespmem:s13], [sflag:$0xF], $0x200, s4, s3, $0x38;
	[tilespmem:$0x1C00] =	vst v63  }
0x5a: {  	_ =	swait.ge [sflag:s15], $0x200  }
0x5b: {  	[sflag:s15] =	ssyncset.done $0x0  }
0x5c: {  	s17 =	rddreg [dreg:$0xe];
	[sflag:s15] =	ssyncadd.s32 $0xFFFFFE00  }
0x5d: {  	[hbm4b:s17+s3] =	stream.strided.scatter [tilespmem:s9], [sflag:$0xF], $0x200, s4, s3, $0x38;
	[tilespmem:$0x1C00] =	vst v63  }
0x5e: {  	_ =	swait.ge [sflag:s12], $0x200  }
0x5f: {  	[sflag:s12] =	ssyncset.done $0x0  }
0x60: {  	s19 =	rddreg [dreg:$0xf];
	[sflag:s12] =	ssyncadd.s32 $0xFFFFFE00  }
0x61: {  	[hbm4b:s19+s3] =	stream.strided.scatter [tilespmem:s10], [sflag:$0xF], $0x200, s4, s3, $0x38;
	[tilespmem:$0x1C00] =	vst v63  }
0x62: {  	_ =	swait.ge [sflag:s6], $0x200  }
0x63: {  	[sflag:s6] =	ssyncset.done $0x0  }
0x64: {  	[sflag:s6] =	ssyncadd.s32 $0xFFFFFE00  }
0x65: {  	_ =	swait.ge [sflag:s6], $0x200  }
0x66: {  	[sflag:s6] =	ssyncset.done $0x0  }
0x67: {  	[sflag:s6] =	ssyncadd.s32 $0xFFFFFE00  }
0x68: {  	_ =	swait.ge [sflag:s6], $0x200  }
0x69: {  	[sflag:s6] =	ssyncset.done $0x0  }
0x6a: {  	[sflag:s6] =	ssyncadd.s32 $0xFFFFFE00  }
0x6b: {  	_ =	swait.ge [sflag:s6], $0x200  }
0x6c: {  	[sflag:s6] =	ssyncset.done $0x0  }
0x6d: {  	[sflag:s6] =	ssyncadd.s32 $0xFFFFFE00  }
0x6e: {  	_ =	swait.ge [sflag:s6], $0x200  }
0x6f: {  	[sflag:s6] =	ssyncset.done $0x0  }
0x70: {  	[sflag:s6] =	ssyncadd.s32 $0xFFFFFE00  }
0x71: {  	_ =	swait.ge [sflag:s6], $0x200  }
0x72: {  	s20 =	rddreg [dreg:$0x11]  }
0x73: {  	p1 =	sne.s32 s20, $0x1  }
.Ltmp1:
0x74: {  	_ = 	snop;
	(pc) =	sbr.rel @!p1 .LBB2_6-.Ltmp1, $4  }
0x75: {  	[sflag:s6] =	ssyncset.done $0x0  }
0x76: {  	[sflag:s6] =	ssyncadd.s32 $0xFFFFFE00  }
0x77: {  	_ =	swait.ge [sflag:s6], $0x200  }
0x78: {  	p0 =	por $0x1, $0x1;
	s8 =	sadd.s32 $0xFFFFFFFF, s20;
	[sflag:s6] =	ssyncset.done $0x0  }
0x79: {  	s17 =	simm.s32 $0x1000;
	s20 =	simm.s32 $0x1200;
	s19 =	simm.s32 $0x1400  }
.LBB2_3:
0x7a: {  	[sflag:s6] =	ssyncadd.s32 $0xFFFFFE00  }
0x7b: {  	[tilespmem:s11], [sflag:$0x1] =	stream.strided.gather [hbm4b:s23+s3], $0x200, s4, s3, $0x38;
	[tilespmem:$0x1C00] =	vst v63  }
0x7c: {  	s9 =	rddreg [dreg:$0x4]  }
0x7d: {  	[tilespmem:s16], [sflag:$0x2] =	stream.strided.gather [hbm4b:s9+s3], $0x200, s4, s3, $0x38;
	[tilespmem:$0x1C00] =	vst v63  }
0x7e: {  	s10 =	rddreg [dreg:$0x5]  }
0x7f: {  	[tilespmem:s4], [sflag:$0x3] =	stream.strided.gather [hbm4b:s10+s3], $0x200, s4, s3, $0x38;
	[tilespmem:$0x1C00] =	vst v63  }
0x80: {  	s13 =	simm.s32 $0x600;
	s9 =	rddreg [dreg:$0x6]  }
0x81: {  	[tilespmem:s13], [sflag:$0x4] =	stream.strided.gather [hbm4b:s9+s3], $0x200, s4, s3, $0x38;
	[tilespmem:$0x1C00] =	vst v63  }
0x82: {  	s10 =	rddreg [dreg:$0x7]  }
0x83: {  	[tilespmem:s14], [sflag:$0x5] =	stream.strided.gather [hbm4b:s10+s3], $0x200, s4, s3, $0x38;
	[tilespmem:$0x1C00] =	vst v63  }
0x84: {  	s9 =	rddreg [dreg:$0x8]  }
0x85: {  	[tilespmem:s25], [sflag:$0x6] =	stream.strided.gather [hbm4b:s9+s3], $0x200, s4, s3, $0x38;
	[tilespmem:$0x1C00] =	vst v63  }
0x86: {  	s10 =	rddreg [dreg:$0x9];
	s9 =	simm.s32 $0xC00  }
0x87: {  	[tilespmem:s9], [sflag:$0x7] =	stream.strided.gather [hbm4b:s10+s3], $0x200, s4, s3, $0x38;
	[tilespmem:$0x1C00] =	vst v63  }
0x88: {  	_ =	swait.ge [sflag:s7], $0x200  }
0x89: {  	[sflag:s7] =	ssyncset.done $0x0  }
0x8a: {  	[sflag:s7] =	ssyncadd.s32 $0xFFFFFE00  }
0x8b: {  	[tilespmem:s21], [sflag:$0x8] =	stream.indirect.gather [hbm4b:s2+s16], $0x1, s11, s16, $0xb8;
	[tilespmem:$0x1C00] =	vst v63  }
0x8c: {  	_ =	swait.ge [sflag:s5], $0x200  }
0x8d: {  	[sflag:s5] =	ssyncset.done $0x0  }
0x8e: {  	[sflag:s5] =	ssyncadd.s32 $0xFFFFFE00  }
0x8f: {  	[tilespmem:s17], [sflag:$0x9] =	stream.indirect.gather [hbm4b:s2+s16], $0x1, s16, s16, $0xb8;
	[tilespmem:$0x1C00] =	vst v63  }
0x90: {  	_ =	swait.ge [sflag:s0], $0x200  }
0x91: {  	[sflag:s0] =	ssyncset.done $0x0  }
0x92: {  	[sflag:s0] =	ssyncadd.s32 $0xFFFFFE00  }
0x93: {  	[tilespmem:s20], [sflag:$0xA] =	stream.indirect.gather [hbm4b:s2+s16], $0x1, s4, s16, $0xb8;
	[tilespmem:$0x1C00] =	vst v63  }
0x94: {  	_ =	swait.ge [sflag:s1], $0x200  }
0x95: {  	[sflag:s1] =	ssyncset.done $0x0  }
0x96: {  	[sflag:s1] =	ssyncadd.s32 $0xFFFFFE00  }
0x97: {  	[tilespmem:s19], [sflag:$0xB] =	stream.indirect.gather [hbm4b:s2+s16], $0x1, s13, s16, $0xb8;
	[tilespmem:$0x1C00] =	vst v63  }
0x98: {  	_ =	swait.ge [sflag:s31], $0x200  }
0x99: {  	[sflag:s31] =	ssyncset.done $0x0  }
0x9a: {  	s13 =	simm.s32 $0x1600;
	[sflag:s31] =	ssyncadd.s32 $0xFFFFFE00  }
0x9b: {  	[tilespmem:s13], [sflag:$0xC] =	stream.indirect.gather [hbm4b:s2+s16], $0x1, s14, s16, $0xb8;
	[tilespmem:$0x1C00] =	vst v63  }
0x9c: {  	_ =	swait.ge [sflag:s29], $0x200  }
0x9d: {  	[sflag:s29] =	ssyncset.done $0x0  }
0x9e: {  	s10 =	simm.s32 $0x1800;
	[sflag:s29] =	ssyncadd.s32 $0xFFFFFE00  }
0x9f: {  	[tilespmem:s10], [sflag:$0xD] =	stream.indirect.gather [hbm4b:s2+s16], $0x1, s25, s16, $0xb8;
	[tilespmem:$0x1C00] =	vst v63  }
0xa0: {  	_ =	swait.ge [sflag:s30], $0x200  }
0xa1: {  	[sflag:s30] =	ssyncset.done $0x0  }
0xa2: {  	s11 =	simm.s32 $0x1A00;
	[sflag:s30] =	ssyncadd.s32 $0xFFFFFE00  }
0xa3: {  	[tilespmem:s11], [sflag:$0xE] =	stream.indirect.gather [hbm4b:s2+s16], $0x1, s9, s16, $0xb8;
	[tilespmem:$0x1C00] =	vst v63  }
0xa4: {  	_ =	swait.ge [sflag:s28], $0x200  }
0xa5: {  	[sflag:s28] =	ssyncset.done $0x0  }
0xa6: {  	s9 =	rddreg [dreg:$0x10];
	[sflag:s28] =	ssyncadd.s32 $0xFFFFFE00  }
0xa7: {  	[hbm4b:s9+s3] =	stream.strided.scatter [tilespmem:s21], [sflag:$0xF], $0x200, s4, s3, $0x38;
	[tilespmem:$0x1C00] =	vst v63  }
0xa8: {  	_ =	swait.ge [sflag:s26], $0x200  }
0xa9: {  	[sflag:s26] =	ssyncset.done $0x0  }
0xaa: {  	s9 =	rddreg [dreg:$0xa];
	[sflag:s26] =	ssyncadd.s32 $0xFFFFFE00  }
0xab: {  	[hbm4b:s9+s3] =	stream.strided.scatter [tilespmem:s17], [sflag:$0xF], $0x200, s4, s3, $0x38;
	[tilespmem:$0x1C00] =	vst v63  }
0xac: {  	_ =	swait.ge [sflag:s24], $0x200  }
0xad: {  	[sflag:s24] =	ssyncset.done $0x0  }
0xae: {  	s9 =	rddreg [dreg:$0xb];
	[sflag:s24] =	ssyncadd.s32 $0xFFFFFE00  }
0xaf: {  	[hbm4b:s9+s3] =	stream.strided.scatter [tilespmem:s20], [sflag:$0xF], $0x200, s4, s3, $0x38;
	[tilespmem:$0x1C00] =	vst v63  }
0xb0: {  	_ =	swait.ge [sflag:s22], $0x200  }
0xb1: {  	[sflag:s22] =	ssyncset.done $0x0  }
0xb2: {  	s9 =	rddreg [dreg:$0xc];
	[sflag:s22] =	ssyncadd.s32 $0xFFFFFE00  }
0xb3: {  	[hbm4b:s9+s3] =	stream.strided.scatter [tilespmem:s19], [sflag:$0xF], $0x200, s4, s3, $0x38;
	[tilespmem:$0x1C00] =	vst v63  }
0xb4: {  	_ =	swait.ge [sflag:s18], $0x200  }
0xb5: {  	[sflag:s18] =	ssyncset.done $0x0  }
0xb6: {  	s9 =	rddreg [dreg:$0xd];
	[sflag:s18] =	ssyncadd.s32 $0xFFFFFE00  }
0xb7: {  	[hbm4b:s9+s3] =	stream.strided.scatter [tilespmem:s13], [sflag:$0xF], $0x200, s4, s3, $0x38;
	[tilespmem:$0x1C00] =	vst v63  }
0xb8: {  	_ =	swait.ge [sflag:s15], $0x200  }
0xb9: {  	[sflag:s15] =	ssyncset.done $0x0  }
0xba: {  	s13 =	rddreg [dreg:$0xe];
	[sflag:s15] =	ssyncadd.s32 $0xFFFFFE00  }
0xbb: {  	[hbm4b:s13+s3] =	stream.strided.scatter [tilespmem:s10], [sflag:$0xF], $0x200, s4, s3, $0x38;
	[tilespmem:$0x1C00] =	vst v63  }
0xbc: {  	_ =	swait.ge [sflag:s12], $0x200  }
0xbd: {  	[sflag:s12] =	ssyncset.done $0x0  }
0xbe: {  	s13 =	rddreg [dreg:$0xf];
	[sflag:s12] =	ssyncadd.s32 $0xFFFFFE00  }
0xbf: {  	[hbm4b:s13+s3] =	stream.strided.scatter [tilespmem:s11], [sflag:$0xF], $0x200, s4, s3, $0x38;
	[tilespmem:$0x1C00] =	vst v63  }
0xc0: {  	_ =	swait.ge [sflag:s6], $0x200  }
0xc1: {  	[sflag:s6] =	ssyncset.done $0x0  }
0xc2: {  	[sflag:s6] =	ssyncadd.s32 $0xFFFFFE00  }
0xc3: {  	_ =	swait.ge [sflag:s6], $0x200  }
0xc4: {  	[sflag:s6] =	ssyncset.done $0x0  }
0xc5: {  	[sflag:s6] =	ssyncadd.s32 $0xFFFFFE00  }
0xc6: {  	_ =	swait.ge [sflag:s6], $0x200  }
0xc7: {  	[sflag:s6] =	ssyncset.done $0x0  }
0xc8: {  	[sflag:s6] =	ssyncadd.s32 $0xFFFFFE00  }
0xc9: {  	_ =	swait.ge [sflag:s6], $0x200  }
0xca: {  	[sflag:s6] =	ssyncset.done $0x0  }
0xcb: {  	[sflag:s6] =	ssyncadd.s32 $0xFFFFFE00  }
0xcc: {  	_ =	swait.ge [sflag:s6], $0x200  }
0xcd: {  	[sflag:s6] =	ssyncset.done $0x0  }
0xce: {  	p1 =	sne.s32 s8, $0x1;
	[sflag:s6] =	ssyncadd.s32 $0xFFFFFE00  }
.Ltmp2:
0xcf: {  	_ =	swait.ge [sflag:s6], $0x200;
	(pc) =	sbr.rel @p1 .LBB2_3-.Ltmp2, $4  }
0xd0: {  	[sflag:s6] =	ssyncset.done $0x0  }
0xd1: {  	[sflag:s6] =	ssyncadd.s32 $0xFFFFFE00  }
0xd2: {  	_ =	swait.ge [sflag:s6], $0x200  }
0xd3: {  	s8 =	sadd.s32 $0xFFFFFFFF, s8;
	s11 =	simm.s32 $0x0;
	[sflag:s6] =	ssyncset.done $0x0  }
0xd4: {  	s10 =	stileid.u32;
	s13 =	simm.s32 $0x1400  }
0xd5: {  	s14 =	simm.s32 $0x1200;
	s17 =	simm.s32 $0x1000;
	s19 =	simm.s32 $0xE00  }
0xd6: {  	s20 =	simm.s32 $0xC00;
	s21 =	simm.s32 $0xA00;
	s25 =	simm.s32 $0x800  }
.LBB2_5:
0xd7: {  	[sflag:s6] =	ssyncadd.s32 @p0 $0xFFFFFE00  }
0xd8: {  	[tilespmem:s11], [sflag:$0x1] =	stream.strided.gather [hbm4b:s23+s3], $0x200, s4, s3, $0x38;
	[tilespmem:$0x1C00] =	vst v63  }
0xd9: {  	s8 =	rddreg [dreg:$0x4]  }
0xda: {  	[tilespmem:s16], [sflag:$0x2] =	stream.strided.gather [hbm4b:s8+s3], $0x200, s4, s3, $0x38;
	[tilespmem:$0x1C00] =	vst v63  }
0xdb: {  	s9 =	rddreg [dreg:$0x5]  }
0xdc: {  	[tilespmem:s4], [sflag:$0x3] =	stream.strided.gather [hbm4b:s9+s3], $0x200, s4, s3, $0x38;
	[tilespmem:$0x1C00] =	vst v63  }
0xdd: {  	s23 =	simm.s32 $0x600;
	s8 =	rddreg [dreg:$0x6]  }
0xde: {  	[tilespmem:s23], [sflag:$0x4] =	stream.strided.gather [hbm4b:s8+s3], $0x200, s4, s3, $0x38;
	[tilespmem:$0x1C00] =	vst v63  }
0xdf: {  	s9 =	rddreg [dreg:$0x7]  }
0xe0: {  	[tilespmem:s25], [sflag:$0x5] =	stream.strided.gather [hbm4b:s9+s3], $0x200, s4, s3, $0x38;
	[tilespmem:$0x1C00] =	vst v63  }
0xe1: {  	s8 =	rddreg [dreg:$0x8]  }
0xe2: {  	[tilespmem:s21], [sflag:$0x6] =	stream.strided.gather [hbm4b:s8+s3], $0x200, s4, s3, $0x38;
	[tilespmem:$0x1C00] =	vst v63  }
0xe3: {  	s9 =	rddreg [dreg:$0x9]  }
0xe4: {  	[tilespmem:s20], [sflag:$0x7] =	stream.strided.gather [hbm4b:s9+s3], $0x200, s4, s3, $0x38;
	[tilespmem:$0x1C00] =	vst v63  }
0xe5: {  	_ =	swait.ge [sflag:s7], $0x200  }
0xe6: {  	[sflag:s7] =	ssyncset.done $0x0  }
0xe7: {  	[sflag:s7] =	ssyncadd.s32 $0xFFFFFE00  }
0xe8: {  	[tilespmem:s19], [sflag:$0x8] =	stream.indirect.gather [hbm4b:s2+s16], $0x1, s11, s16, $0xb8;
	[tilespmem:$0x1C00] =	vst v63  }
0xe9: {  	_ =	swait.ge [sflag:s5], $0x200  }
0xea: {  	[sflag:s5] =	ssyncset.done $0x0  }
0xeb: {  	[sflag:s5] =	ssyncadd.s32 $0xFFFFFE00  }
0xec: {  	[tilespmem:s17], [sflag:$0x9] =	stream.indirect.gather [hbm4b:s2+s16], $0x1, s16, s16, $0xb8;
	[tilespmem:$0x1C00] =	vst v63  }
0xed: {  	_ =	swait.ge [sflag:s0], $0x200  }
0xee: {  	[sflag:s0] =	ssyncset.done $0x0  }
0xef: {  	[sflag:s0] =	ssyncadd.s32 $0xFFFFFE00  }
0xf0: {  	[tilespmem:s14], [sflag:$0xA] =	stream.indirect.gather [hbm4b:s2+s16], $0x1, s4, s16, $0xb8;
	[tilespmem:$0x1C00] =	vst v63  }
0xf1: {  	_ =	swait.ge [sflag:s1], $0x200  }
0xf2: {  	[sflag:s1] =	ssyncset.done $0x0  }
0xf3: {  	[sflag:s1] =	ssyncadd.s32 $0xFFFFFE00  }
0xf4: {  	[tilespmem:s13], [sflag:$0xB] =	stream.indirect.gather [hbm4b:s2+s16], $0x1, s23, s16, $0xb8;
	[tilespmem:$0x1C00] =	vst v63  }
0xf5: {  	_ =	swait.ge [sflag:s31], $0x200  }
0xf6: {  	[sflag:s31] =	ssyncset.done $0x0  }
0xf7: {  	s9 =	simm.s32 $0x1600;
	[sflag:s31] =	ssyncadd.s32 $0xFFFFFE00  }
0xf8: {  	[tilespmem:s9], [sflag:$0xC] =	stream.indirect.gather [hbm4b:s2+s16], $0x1, s25, s16, $0xb8;
	[tilespmem:$0x1C00] =	vst v63  }
0xf9: {  	_ =	swait.ge [sflag:s29], $0x200  }
0xfa: {  	[sflag:s29] =	ssyncset.done $0x0  }
0xfb: {  	s11 =	simm.s32 $0x1800;
	[sflag:s29] =	ssyncadd.s32 $0xFFFFFE00  }
0xfc: {  	[tilespmem:s11], [sflag:$0xD] =	stream.indirect.gather [hbm4b:s2+s16], $0x1, s21, s16, $0xb8;
	[tilespmem:$0x1C00] =	vst v63  }
0xfd: {  	_ =	swait.ge [sflag:s30], $0x200  }
0xfe: {  	[sflag:s30] =	ssyncset.done $0x0  }
0xff: {  	s21 =	simm.s32 $0x1A00;
	[sflag:s30] =	ssyncadd.s32 $0xFFFFFE00  }
0x100: {  	[tilespmem:s21], [sflag:$0xE] =	stream.indirect.gather [hbm4b:s2+s16], $0x1, s20, s16, $0xb8;
	[tilespmem:$0x1C00] =	vst v63  }
0x101: {  	_ =	swait.ge [sflag:s28], $0x200  }
0x102: {  	[sflag:s28] =	ssyncset.done $0x0  }
0x103: {  	s23 =	rddreg [dreg:$0x10];
	[sflag:s28] =	ssyncadd.s32 $0xFFFFFE00  }
0x104: {  	[hbm4b:s23+s3] =	stream.strided.scatter [tilespmem:s19], [sflag:$0xF], $0x200, s4, s3, $0x38;
	[tilespmem:$0x1C00] =	vst v63  }
0x105: {  	_ =	swait.ge [sflag:s26], $0x200  }
0x106: {  	[sflag:s26] =	ssyncset.done $0x0  }
0x107: {  	s25 =	rddreg [dreg:$0xa];
	[sflag:s26] =	ssyncadd.s32 $0xFFFFFE00  }
0x108: {  	[hbm4b:s25+s3] =	stream.strided.scatter [tilespmem:s17], [sflag:$0xF], $0x200, s4, s3, $0x38;
	[tilespmem:$0x1C00] =	vst v63  }
0x109: {  	_ =	swait.ge [sflag:s24], $0x200  }
0x10a: {  	[sflag:s24] =	ssyncset.done $0x0  }
0x10b: {  	s26 =	rddreg [dreg:$0xb];
	[sflag:s24] =	ssyncadd.s32 $0xFFFFFE00  }
0x10c: {  	[hbm4b:s26+s3] =	stream.strided.scatter [tilespmem:s14], [sflag:$0xF], $0x200, s4, s3, $0x38;
	[tilespmem:$0x1C00] =	vst v63  }
0x10d: {  	_ =	swait.ge [sflag:s22], $0x200  }
0x10e: {  	[sflag:s22] =	ssyncset.done $0x0  }
0x10f: {  	s28 =	rddreg [dreg:$0xc];
	[sflag:s22] =	ssyncadd.s32 $0xFFFFFE00  }
0x110: {  	[hbm4b:s28+s3] =	stream.strided.scatter [tilespmem:s13], [sflag:$0xF], $0x200, s4, s3, $0x38;
	[tilespmem:$0x1C00] =	vst v63  }
0x111: {  	_ =	swait.ge [sflag:s18], $0x200  }
0x112: {  	[sflag:s18] =	ssyncset.done $0x0  }
0x113: {  	s29 =	rddreg [dreg:$0xd];
	[sflag:s18] =	ssyncadd.s32 $0xFFFFFE00  }
0x114: {  	[hbm4b:s29+s3] =	stream.strided.scatter [tilespmem:s9], [sflag:$0xF], $0x200, s4, s3, $0x38;
	[tilespmem:$0x1C00] =	vst v63  }
0x115: {  	_ =	swait.ge [sflag:s15], $0x200  }
0x116: {  	[sflag:s15] =	ssyncset.done $0x0  }
0x117: {  	s30 =	rddreg [dreg:$0xe];
	[sflag:s15] =	ssyncadd.s32 $0xFFFFFE00  }
0x118: {  	[hbm4b:s30+s3] =	stream.strided.scatter [tilespmem:s11], [sflag:$0xF], $0x200, s4, s3, $0x38;
	[tilespmem:$0x1C00] =	vst v63  }
0x119: {  	_ =	swait.ge [sflag:s12], $0x200  }
0x11a: {  	[sflag:s12] =	ssyncset.done $0x0  }
0x11b: {  	s31 =	rddreg [dreg:$0xf];
	[sflag:s12] =	ssyncadd.s32 $0xFFFFFE00  }
0x11c: {  	[hbm4b:s31+s3] =	stream.strided.scatter [tilespmem:s21], [sflag:$0xF], $0x200, s4, s3, $0x38;
	[tilespmem:$0x1C00] =	vst v63  }
0x11d: {  	_ =	swait.ge [sflag:s6], $0x200  }
0x11e: {  	[sflag:s6] =	ssyncset.done $0x0  }
0x11f: {  	[sflag:s6] =	ssyncadd.s32 $0xFFFFFE00  }
0x120: {  	_ =	swait.ge [sflag:s6], $0x200  }
0x121: {  	[sflag:s6] =	ssyncset.done $0x0  }
0x122: {  	[sflag:s6] =	ssyncadd.s32 $0xFFFFFE00  }
0x123: {  	_ =	swait.ge [sflag:s6], $0x200  }
0x124: {  	[sflag:s6] =	ssyncset.done $0x0  }
0x125: {  	[sflag:s6] =	ssyncadd.s32 $0xFFFFFE00  }
0x126: {  	_ =	swait.ge [sflag:s6], $0x200  }
0x127: {  	[sflag:s6] =	ssyncset.done $0x0  }
0x128: {  	[sflag:s6] =	ssyncadd.s32 $0xFFFFFE00  }
0x129: {  	_ =	swait.ge [sflag:s6], $0x200  }
0x12a: {  	[sflag:s6] =	ssyncset.done $0x0  }
0x12b: {  	[sflag:s6] =	ssyncadd.s32 $0xFFFFFE00  }
0x12c: {  	_ =	swait.ge [sflag:s6], $0x200  }
0x12d: {  	[sflag:s6] =	ssyncset.done $0x0  }
0x12e: {  	[sflag:s6] =	ssyncadd.s32 $0xFFFFFE00  }
0x12f: {  	_ =	swait.ge [sflag:s6], $0x200  }
0x130: {  	[sflag:s6] =	ssyncset.done $0x0  }
0x131: {  	[sflag:s6] =	ssyncadd.s32 $0xFFFFFE00  }
0x132: {  	_ =	sfence.sel $0x180000  }
0x133: {  	[bflag:$0x0] =	sbarrier.arrive $0xFFFF  }
0x134: {  	_ =	strace $0x90000047  }
0x135: {  	[bflag:$0x2] =	sbarrier.arrive $0xFFFF  }
0x136: {  	p0 =	sne.s32 s10, $0x0;
	s0 =	rddreg [dreg:$0x3]  }
0x137: {  	s0 =	sadd.s32 @!p0 $0x100000, s0  }
0x138: {  	[sflag:s0] =	ssyncadd.tile.s32 @!p0 $0x1;
	_ =	shalt  }
.LBB2_6:
.Ltmp3:
0x139: {  	(pc) =	sbr.rel .LBB2_5-.Ltmp3, $4  }
0x13a: {  	_ = 	snop  }
0x13b: {  	s10 =	stileid.u32;
	s13 =	simm.s32 $0x1400  }
0x13c: {  	s14 =	simm.s32 $0x1200;
	s17 =	simm.s32 $0x1000;
	s19 =	simm.s32 $0xE00  }
0x13d: {  	s20 =	simm.s32 $0xC00;
	s21 =	simm.s32 $0xA00;
	s25 =	simm.s32 $0x800  }
.Lfunc_end2:
_tile_overlayer_lowered:
.L_overlay_start_2:
0x13e: {  	(tag) =	ssettag $0x2  }
0x13f: {  	s0 =	rddreg [dreg:$0x0];
	s2 =	stileid.u32  }
0x140: {  	s1 =	rddreg [dreg:$0x1];
	p0 =	sne.s32 s2, $0x0  }
0x141: {  	s3 =	rddreg [dreg:$0x2];
	[bflag:$0x3] =	sbarrier.arrive $0xFFFF;
	s2 =	simm.s32 @!p0 $0x1C10  }
0x142: {  	[timem:s3], [sflag:s2] =	dma.local @!p0 [hbm:s0], s1  }
0x143: {  	s0 =	simm.s32 @!p0 $0x10  }
0x144: {  	_ =	swait.ge @!p0 [sflag:s0], s1  }
0x145: {  	s1 =	ssub.s32 @!p0 $0x0, s1;
	[sflag:s0] =	ssyncset.done @!p0 $0x0  }
0x146: {  	[sflag:s0] =	ssyncadd.s32 @!p0 s1  }
0x147: {  	[bflag:$0x3] =	sbarrier.arrive $0xFFFF  }
0x148: {  	_ =	shalt  }

</sc_bundles>
